<compile_context>
chip_gen: v7x
topology: tpu7x:2x2x1
jax: 0.10.2.dev20260603
libtpu: 0.0.44.dev20260713+nightly
codegen_flags: <defaults>
</compile_context>

<pallas_src>
import jax
import jax.numpy as jnp
from jax.experimental import pallas as pl

_IMG = 800.0
_MIN_SIZE = 1e-3
_TH = 0.7
_NEG = -1e9
_PRE = 2000
_PRE_PAD = 2048
_POST = 1000
_POST_PAD = 1024
_ROWB = 128


def _prep_kernel(b_ref, s_ref, bo_ref, so_ref):
    x1 = jnp.clip(b_ref[0:1, :], 0.0, _IMG)
    y1 = jnp.clip(b_ref[1:2, :], 0.0, _IMG)
    x2 = jnp.clip(b_ref[2:3, :], 0.0, _IMG)
    y2 = jnp.clip(b_ref[3:4, :], 0.0, _IMG)
    valid = ((x2 - x1) >= _MIN_SIZE) & ((y2 - y1) >= _MIN_SIZE)
    so_ref[...] = jnp.where(valid, s_ref[...], _NEG)
    bo_ref[...] = jnp.concatenate([x1, y1, x2, y2], axis=0)


def _mask_kernel(x1c_ref, y1c_ref, x2c_ref, y2c_ref,
                 x1r_ref, y1r_ref, x2r_ref, y2r_ref, m_ref):
    x1c = x1c_ref[...]
    y1c = y1c_ref[...]
    x2c = x2c_ref[...]
    y2c = y2c_ref[...]
    x1r = x1r_ref[...]
    y1r = y1r_ref[...]
    x2r = x2r_ref[...]
    y2r = y2r_ref[...]
    area_c = (x2c - x1c) * (y2c - y1c)
    area_r = (x2r - x1r) * (y2r - y1r)
    w = jnp.clip(jnp.minimum(x2c, x2r) - jnp.maximum(x1c, x1r), 0.0, None)
    h = jnp.clip(jnp.minimum(y2c, y2r) - jnp.maximum(y1c, y1r), 0.0, None)
    inter = w * h
    iou = inter / (area_c + area_r - inter + 1e-9)
    pi = pl.program_id(0)
    rowid = jax.lax.broadcasted_iota(jnp.int32, (_ROWB, _PRE_PAD), 0) + pi * _ROWB
    colid = jax.lax.broadcasted_iota(jnp.int32, (_ROWB, _PRE_PAD), 1)
    m_ref[...] = ((iou > _TH) & (rowid < colid)).astype(jnp.float32)


def _nms_kernel(m_ref, keep_ref):
    keep_ref[...] = jnp.ones((1, _PRE_PAD), dtype=jnp.float32)

    def cond(carry):
        it, changed = carry
        return changed & (it < _PRE_PAD + 1)

    def body(carry):
        it, _ = carry
        keep = keep_ref[...]
        sup = jnp.dot(keep, m_ref[...], preferred_element_type=jnp.float32)
        new = jnp.where(sup > 0.5, 0.0, 1.0)
        changed = jnp.sum(jnp.abs(new - keep)) > 0.0
        keep_ref[...] = new
        return it + 1, changed

    jax.lax.while_loop(cond, body, (jnp.int32(0), jnp.bool_(True)))


def _sort_kernel(kc_ref, sc_ref, kr_ref, sr_ref, v_ref, out_ref):
    key_c = jnp.where(kc_ref[...] > 0.5, sc_ref[...], _NEG)
    key_r = jnp.where(kr_ref[...] > 0.5, sr_ref[...], _NEG)
    pi = pl.program_id(0)
    i_glob = jax.lax.broadcasted_iota(jnp.int32, (_ROWB, _PRE_PAD), 0) + pi * _ROWB
    j_glob = jax.lax.broadcasted_iota(jnp.int32, (_ROWB, _PRE_PAD), 1)
    beats = (key_r > key_c) | ((key_r == key_c) & (j_glob < i_glob))
    rank = jnp.sum(beats.astype(jnp.int32), axis=1, keepdims=True)
    p_out = jax.lax.broadcasted_iota(jnp.int32, (_ROWB, _POST_PAD), 1)
    onehot = (rank == p_out).astype(jnp.float32)
    col4 = (jax.lax.broadcasted_iota(jnp.int32, (1, 8), 1) == 4).astype(jnp.float32)
    vals = v_ref[...] + key_c * col4
    contrib = jax.lax.dot_general(
        onehot, vals, (((0,), (0,)), ((), ())),
        precision=jax.lax.Precision.HIGHEST,
        preferred_element_type=jnp.float32)

    @pl.when(pi == 0)
    def _():
        out_ref[...] = jnp.zeros_like(out_ref)

    out_ref[...] += contrib


def kernel(boxes, scores):
    n = boxes.shape[0]
    n_pad = ((n + 127) // 128) * 128
    b_in = jnp.zeros((4, n_pad), dtype=jnp.float32).at[:, :n].set(boxes.T)
    s_in = jnp.full((1, n_pad), _NEG, dtype=jnp.float32).at[0, :n].set(scores)

    b_cl, s_m = pl.pallas_call(
        _prep_kernel,
        out_shape=(
            jax.ShapeDtypeStruct((4, n_pad), jnp.float32),
            jax.ShapeDtypeStruct((1, n_pad), jnp.float32),
        ),
    )(b_in, s_in)

    top_s, top_idx = jax.lax.top_k(s_m[0, :n], _PRE)
    bt = jnp.take(b_cl[:, :n], top_idx, axis=1)

    bp = jnp.zeros((4, _PRE_PAD), dtype=jnp.float32).at[:, :_PRE].set(bt)
    cols = [bp[i].reshape(_PRE_PAD, 1) for i in range(4)]
    rows = [bp[i].reshape(1, _PRE_PAD) for i in range(4)]

    m = pl.pallas_call(
        _mask_kernel,
        grid=(_PRE_PAD // _ROWB,),
        in_specs=(
            [pl.BlockSpec((_ROWB, 1), lambda i: (i, 0)) for _ in range(4)]
            + [pl.BlockSpec((1, _PRE_PAD), lambda i: (0, 0)) for _ in range(4)]
        ),
        out_specs=pl.BlockSpec((_ROWB, _PRE_PAD), lambda i: (i, 0)),
        out_shape=jax.ShapeDtypeStruct((_PRE_PAD, _PRE_PAD), jnp.float32),
    )(*cols, *rows)

    keep_f = pl.pallas_call(
        _nms_kernel,
        out_shape=jax.ShapeDtypeStruct((1, _PRE_PAD), jnp.float32),
    )(m)

    s_pad = jnp.full((_PRE_PAD,), _NEG, dtype=jnp.float32).at[:_PRE].set(top_s)
    v8 = jnp.zeros((_PRE_PAD, 8), dtype=jnp.float32).at[:, :4].set(bp.T)

    res = pl.pallas_call(
        _sort_kernel,
        grid=(_PRE_PAD // _ROWB,),
        in_specs=(
            pl.BlockSpec((_ROWB, 1), lambda i: (i, 0)),
            pl.BlockSpec((_ROWB, 1), lambda i: (i, 0)),
            pl.BlockSpec((1, _PRE_PAD), lambda i: (0, 0)),
            pl.BlockSpec((1, _PRE_PAD), lambda i: (0, 0)),
            pl.BlockSpec((_ROWB, 8), lambda i: (i, 0)),
        ),
        out_specs=pl.BlockSpec((_POST_PAD, 8), lambda i: (0, 0)),
        out_shape=jax.ShapeDtypeStruct((_POST_PAD, 8), jnp.float32),
    )(keep_f.reshape(_PRE_PAD, 1), s_pad.reshape(_PRE_PAD, 1),
      keep_f.reshape(1, _PRE_PAD), s_pad.reshape(1, _PRE_PAD), v8)

    return res[:_POST, :4], res[:_POST, 4]

# --- scband reference (transcript-rebuilt; emitter-appended) ---
"""Pipeline reference for scband-region-proposal-network-5669356834639 (READ-ONLY COPY).

The authoritative reference and input builder live on the scoring server;
editing this copy changes nothing except your own understanding.
"""

import jax, jax.numpy as jnp
import numpy as np

N = 20000
PRE_NMS = 2000
POST_NMS = 1000
NMS_TH = 0.7
MIN_SIZE = 1e-3
IMG = 800.0


def box_iou_matrix(b):
    area = (b[:, 2] - b[:, 0]) * (b[:, 3] - b[:, 1])
    lt = jnp.maximum(b[:, None, :2], b[None, :, :2])
    rb = jnp.minimum(b[:, None, 2:], b[None, :, 2:])
    wh = jnp.clip(rb - lt, 0.0, None)
    inter = wh[..., 0] * wh[..., 1]
    return inter / (area[:, None] + area[None, :] - inter + 1e-9)


def nms_keep(iou, K, th):
    # Sequential suppression identical to torchvision.ops.nms given score-desc order.
    idxs = jnp.arange(K)

    def step(keep, i):
        earlier = (idxs < i) & keep
        row = jax.lax.dynamic_index_in_dim(iou, i, axis=0, keepdims=False)
        suppressed = jnp.any((row > th) & earlier)
        keep = keep.at[i].set(keep[i] & (~suppressed))
        return keep, 0

    keep, _ = jax.lax.scan(step, jnp.ones((K,), dtype=bool), idxs)
    return keep


def setup_inputs(seed: int = 0) -> dict:
    key = jax.random.key(seed)
    k1, k2 = jax.random.split(key)
    raw = jax.random.uniform(k1, (N, 4), dtype=jnp.float32)
    xy = raw[:, :2] * (IMG - 40.0)
    wh = raw[:, 2:] * 120.0 + 4.0
    boxes = jnp.concatenate([xy, xy + wh], axis=1)
    scores = jax.random.normal(k2, (N,), dtype=jnp.float32)
    return {"boxes": boxes, "scores": scores}


def reference(boxes, scores):
    # RPN.filter_proposals core: clip -> remove small -> pre-NMS topk -> NMS -> post-NMS topk.
    b = jnp.stack(
        [
            jnp.clip(boxes[:, 0], 0.0, IMG),
            jnp.clip(boxes[:, 1], 0.0, IMG),
            jnp.clip(boxes[:, 2], 0.0, IMG),
            jnp.clip(boxes[:, 3], 0.0, IMG),
        ],
        axis=1,
    )
    w = b[:, 2] - b[:, 0]
    h = b[:, 3] - b[:, 1]
    valid = (w >= MIN_SIZE) & (h >= MIN_SIZE)
    s = jnp.where(valid, scores, -1e9)

    top_s, top_idx = jax.lax.top_k(s, PRE_NMS)  # sorted descending
    bt = jnp.take(b, top_idx, axis=0)

    iou = box_iou_matrix(bt)
    keep = nms_keep(iou, PRE_NMS, NMS_TH)

    final_s = jnp.where(keep, top_s, -1e9)
    out_s, fidx = jax.lax.top_k(final_s, POST_NMS)
    out_boxes = jnp.take(bt, fidx, axis=0)
    return out_boxes, out_s

if __name__ == "__main__":
    import jax
    _d = setup_inputs()
    print(jax.jit(kernel)(*tuple(_d.values())))

</pallas_src>

<mosaic_0001>
module attributes {stable_mosaic.version = 14 : i64} {
  func.func @_prep_kernel(%arg0: memref<4x20096xf32, #tpu.memory_space<vmem>>, %arg1: memref<1x20096xf32, #tpu.memory_space<vmem>>, %arg2: memref<4x20096xf32, #tpu.memory_space<vmem>>, %arg3: memref<1x20096xf32, #tpu.memory_space<vmem>>) attributes {dimension_semantics = [], scalar_prefetch = 0 : i64, scratch_operands = 0 : i64, tpu.core_type = #tpu.core_type<tc>} {
    %get3A = arith.constant 0 : index
    %get3A_0 = arith.constant 0 : index
    %get3A_1 = vector.load %arg0[%get3A, %get3A_0] : memref<4x20096xf32, #tpu.memory_space<vmem>>, vector<1x20096xf32>
    %jit3A = arith.constant 0.000000e+00 : f32
    %jit3A_2 = arith.constant 8.000000e+02 : f32
    %max3A = vector.broadcast %jit3A : f32 to vector<1x20096xf32>
    %max3A_3 = arith.maximumf %max3A, %get3A_1 : vector<1x20096xf32>
    %min3A = vector.broadcast %jit3A_2 : f32 to vector<1x20096xf32>
    %min3A_4 = arith.minimumf %min3A, %max3A_3 : vector<1x20096xf32>
    %get3A_5 = arith.constant 1 : index
    %get3A_6 = arith.constant 0 : index
    %get3A_7 = vector.load %arg0[%get3A_5, %get3A_6] : memref<4x20096xf32, #tpu.memory_space<vmem>>, vector<1x20096xf32>
    %jit3A_8 = arith.constant 0.000000e+00 : f32
    %jit3A_9 = arith.constant 8.000000e+02 : f32
    %max3A_10 = vector.broadcast %jit3A_8 : f32 to vector<1x20096xf32>
    %max3A_11 = arith.maximumf %max3A_10, %get3A_7 : vector<1x20096xf32>
    %min3A_12 = vector.broadcast %jit3A_9 : f32 to vector<1x20096xf32>
    %min3A_13 = arith.minimumf %min3A_12, %max3A_11 : vector<1x20096xf32>
    %get3A_14 = arith.constant 2 : index
    %get3A_15 = arith.constant 0 : index
    %get3A_16 = vector.load %arg0[%get3A_14, %get3A_15] : memref<4x20096xf32, #tpu.memory_space<vmem>>, vector<1x20096xf32>
    %jit3A_17 = arith.constant 0.000000e+00 : f32
    %jit3A_18 = arith.constant 8.000000e+02 : f32
    %max3A_19 = vector.broadcast %jit3A_17 : f32 to vector<1x20096xf32>
    %max3A_20 = arith.maximumf %max3A_19, %get3A_16 : vector<1x20096xf32>
    %min3A_21 = vector.broadcast %jit3A_18 : f32 to vector<1x20096xf32>
    %min3A_22 = arith.minimumf %min3A_21, %max3A_20 : vector<1x20096xf32>
    %get3A_23 = arith.constant 3 : index
    %get3A_24 = arith.constant 0 : index
    %get3A_25 = vector.load %arg0[%get3A_23, %get3A_24] : memref<4x20096xf32, #tpu.memory_space<vmem>>, vector<1x20096xf32>
    %jit3A_26 = arith.constant 0.000000e+00 : f32
    %jit3A_27 = arith.constant 8.000000e+02 : f32
    %max3A_28 = vector.broadcast %jit3A_26 : f32 to vector<1x20096xf32>
    %max3A_29 = arith.maximumf %max3A_28, %get3A_25 : vector<1x20096xf32>
    %min3A_30 = vector.broadcast %jit3A_27 : f32 to vector<1x20096xf32>
    %min3A_31 = arith.minimumf %min3A_30, %max3A_29 : vector<1x20096xf32>
    %sub3A = arith.subf %min3A_22, %min3A_4 : vector<1x20096xf32>
    %ge3A = arith.constant 1.000000e-03 : f32
    %ge3A_32 = vector.broadcast %ge3A : f32 to vector<1x20096xf32>
    %ge3A_33 = arith.cmpf oge, %sub3A, %ge3A_32 : vector<1x20096xf32>
    %sub3A_34 = arith.subf %min3A_31, %min3A_13 : vector<1x20096xf32>
    %ge3A_35 = arith.constant 1.000000e-03 : f32
    %ge3A_36 = vector.broadcast %ge3A_35 : f32 to vector<1x20096xf32>
    %ge3A_37 = arith.cmpf oge, %sub3A_34, %ge3A_36 : vector<1x20096xf32>
    %and3A = arith.andi %ge3A_33, %ge3A_37 : vector<1x20096xi1>
    %get3A_38 = arith.constant 0 : index
    %get3A_39 = arith.constant 0 : index
    %get3A_40 = vector.load %arg1[%get3A_38, %get3A_39] : memref<1x20096xf32, #tpu.memory_space<vmem>>, vector<1x20096xf32>
    %jit3A_41 = arith.constant -1.000000e+09 : f32
    %broadcast_in_dim3A = vector.broadcast %jit3A_41 : f32 to vector<1x20096xf32>
    %select_n3A = arith.select %and3A, %get3A_40, %broadcast_in_dim3A : vector<1x20096xi1>, vector<1x20096xf32>
    %swap3A = arith.constant 0 : index
    %swap3A_42 = arith.constant 0 : index
    %swap3A_43 = vector.load %arg3[%swap3A, %swap3A_42] : memref<1x20096xf32, #tpu.memory_space<vmem>>, vector<1x20096xf32>
    tpu.vector_store %arg3[%swap3A, %swap3A_42], %select_n3A {strides = array<i32>} : memref<1x20096xf32, #tpu.memory_space<vmem>>, vector<1x20096xf32>,
    %concatenate3A = tpu.concatenate %min3A_4, %min3A_13, %min3A_22, %min3A_31 in 0 : vector<1x20096xf32>, vector<1x20096xf32>, vector<1x20096xf32>, vector<1x20096xf32> -> vector<4x20096xf32>
    %swap3A_44 = arith.constant 0 : index
    %swap3A_45 = arith.constant 0 : index
    %swap3A_46 = vector.load %arg2[%swap3A_44, %swap3A_45] : memref<4x20096xf32, #tpu.memory_space<vmem>>, vector<4x20096xf32>
    tpu.vector_store %arg2[%swap3A_44, %swap3A_45], %concatenate3A {strides = array<i32>} : memref<4x20096xf32, #tpu.memory_space<vmem>>, vector<4x20096xf32>,
    return
  }
}

module attributes {stable_mosaic.version = 14 : i64} {
  func.func @_mask_kernel(%arg0: i32, %arg1: memref<128x1xf32, #tpu.memory_space<vmem>>, %arg2: memref<128x1xf32, #tpu.memory_space<vmem>>, %arg3: memref<128x1xf32, #tpu.memory_space<vmem>>, %arg4: memref<128x1xf32, #tpu.memory_space<vmem>>, %arg5: memref<1x2048xf32, #tpu.memory_space<vmem>>, %arg6: memref<1x2048xf32, #tpu.memory_space<vmem>>, %arg7: memref<1x2048xf32, #tpu.memory_space<vmem>>, %arg8: memref<1x2048xf32, #tpu.memory_space<vmem>>, %arg9: memref<128x2048xf32, #tpu.memory_space<vmem>>) attributes {dimension_semantics = [#tpu.dimension_semantics<arbitrary>], iteration_bounds = array<i64: 16>, scalar_prefetch = 0 : i64, scratch_operands = 0 : i64, tpu.core_type = #tpu.core_type<tc>, window_params = [{transform_indices = @transform_0, window_bounds = array<i64: 128, 1>}, {transform_indices = @transform_1, window_bounds = array<i64: 128, 1>}, {transform_indices = @transform_2, window_bounds = array<i64: 128, 1>}, {transform_indices = @transform_3, window_bounds = array<i64: 128, 1>}, {pipeline_mode = #tpu.pipeline_mode<synchronous>, transform_indices = @transform_4, window_bounds = array<i64: 1, 2048>}, {pipeline_mode = #tpu.pipeline_mode<synchronous>, transform_indices = @transform_5, window_bounds = array<i64: 1, 2048>}, {pipeline_mode = #tpu.pipeline_mode<synchronous>, transform_indices = @transform_6, window_bounds = array<i64: 1, 2048>}, {pipeline_mode = #tpu.pipeline_mode<synchronous>, transform_indices = @transform_7, window_bounds = array<i64: 1, 2048>}, {transform_indices = @transform_8, window_bounds = array<i64: 128, 2048>}]} {
    %get3A = arith.constant 0 : index
    %get3A_0 = arith.constant 0 : index
    %get3A_1 = vector.load %arg1[%get3A, %get3A_0] : memref<128x1xf32, #tpu.memory_space<vmem>>, vector<128x1xf32>
    %get3A_2 = arith.constant 0 : index
    %get3A_3 = arith.constant 0 : index
    %get3A_4 = vector.load %arg2[%get3A_2, %get3A_3] : memref<128x1xf32, #tpu.memory_space<vmem>>, vector<128x1xf32>
    %get3A_5 = arith.constant 0 : index
    %get3A_6 = arith.constant 0 : index
    %get3A_7 = vector.load %arg3[%get3A_5, %get3A_6] : memref<128x1xf32, #tpu.memory_space<vmem>>, vector<128x1xf32>
    %get3A_8 = arith.constant 0 : index
    %get3A_9 = arith.constant 0 : index
    %get3A_10 = vector.load %arg4[%get3A_8, %get3A_9] : memref<128x1xf32, #tpu.memory_space<vmem>>, vector<128x1xf32>
    %get3A_11 = arith.constant 0 : index
    %get3A_12 = arith.constant 0 : index
    %get3A_13 = vector.load %arg5[%get3A_11, %get3A_12] : memref<1x2048xf32, #tpu.memory_space<vmem>>, vector<1x2048xf32>
    %get3A_14 = arith.constant 0 : index
    %get3A_15 = arith.constant 0 : index
    %get3A_16 = vector.load %arg6[%get3A_14, %get3A_15] : memref<1x2048xf32, #tpu.memory_space<vmem>>, vector<1x2048xf32>
    %get3A_17 = arith.constant 0 : index
    %get3A_18 = arith.constant 0 : index
    %get3A_19 = vector.load %arg7[%get3A_17, %get3A_18] : memref<1x2048xf32, #tpu.memory_space<vmem>>, vector<1x2048xf32>
    %get3A_20 = arith.constant 0 : index
    %get3A_21 = arith.constant 0 : index
    %get3A_22 = vector.load %arg8[%get3A_20, %get3A_21] : memref<1x2048xf32, #tpu.memory_space<vmem>>, vector<1x2048xf32>
    %sub3A = arith.subf %get3A_7, %get3A_1 : vector<128x1xf32>
    %sub3A_23 = arith.subf %get3A_10, %get3A_4 : vector<128x1xf32>
    %mul3A = arith.mulf %sub3A, %sub3A_23 : vector<128x1xf32>
    %sub3A_24 = arith.subf %get3A_19, %get3A_13 : vector<1x2048xf32>
    %sub3A_25 = arith.subf %get3A_22, %get3A_16 : vector<1x2048xf32>
    %mul3A_26 = arith.mulf %sub3A_24, %sub3A_25 : vector<1x2048xf32>
    %min3A = vector.broadcast %get3A_7 : vector<128x1xf32> to vector<128x2048xf32>
    %min3A_27 = vector.broadcast %get3A_19 : vector<1x2048xf32> to vector<128x2048xf32>
    %min3A_28 = arith.minimumf %min3A, %min3A_27 : vector<128x2048xf32>
    %max3A = vector.broadcast %get3A_1 : vector<128x1xf32> to vector<128x2048xf32>
    %max3A_29 = vector.broadcast %get3A_13 : vector<1x2048xf32> to vector<128x2048xf32>
    %max3A_30 = arith.maximumf %max3A, %max3A_29 : vector<128x2048xf32>
    %sub3A_31 = arith.subf %min3A_28, %max3A_30 : vector<128x2048xf32>
    %jit3A = arith.constant 0.000000e+00 : f32
    %max3A_32 = vector.broadcast %jit3A : f32 to vector<128x2048xf32>
    %max3A_33 = arith.maximumf %max3A_32, %sub3A_31 : vector<128x2048xf32>
    %min3A_34 = vector.broadcast %get3A_10 : vector<128x1xf32> to vector<128x2048xf32>
    %min3A_35 = vector.broadcast %get3A_22 : vector<1x2048xf32> to vector<128x2048xf32>
    %min3A_36 = arith.minimumf %min3A_34, %min3A_35 : vector<128x2048xf32>
    %max3A_37 = vector.broadcast %get3A_4 : vector<128x1xf32> to vector<128x2048xf32>
    %max3A_38 = vector.broadcast %get3A_16 : vector<1x2048xf32> to vector<128x2048xf32>
    %max3A_39 = arith.maximumf %max3A_37, %max3A_38 : vector<128x2048xf32>
    %sub3A_40 = arith.subf %min3A_36, %max3A_39 : vector<128x2048xf32>
    %jit3A_41 = arith.constant 0.000000e+00 : f32
    %max3A_42 = vector.broadcast %jit3A_41 : f32 to vector<128x2048xf32>
    %max3A_43 = arith.maximumf %max3A_42, %sub3A_40 : vector<128x2048xf32>
    %mul3A_44 = arith.mulf %max3A_33, %max3A_43 : vector<128x2048xf32>
    %add3A = vector.broadcast %mul3A : vector<128x1xf32> to vector<128x2048xf32>
    %add3A_45 = vector.broadcast %mul3A_26 : vector<1x2048xf32> to vector<128x2048xf32>
    %add3A_46 = arith.addf %add3A, %add3A_45 : vector<128x2048xf32>
    %sub3A_47 = arith.subf %add3A_46, %mul3A_44 : vector<128x2048xf32>
    %add3A_48 = arith.constant 9.99999971E-10 : f32
    %add3A_49 = vector.broadcast %add3A_48 : f32 to vector<128x2048xf32>
    %add3A_50 = arith.addf %sub3A_47, %add3A_49 : vector<128x2048xf32>
    %div3A = arith.divf %mul3A_44, %add3A_50 : vector<128x2048xf32>
    %iota3A = tpu.iota {dimensions = array<i32: 0>} : vector<128x2048xi32>
    %mul3A_51 = arith.constant 128 : i32
    %mul3A_52 = arith.muli %arg0, %mul3A_51 : i32
    %add3A_53 = vector.broadcast %mul3A_52 : i32 to vector<128x2048xi32>
    %add3A_54 = arith.addi %iota3A, %add3A_53 : vector<128x2048xi32>
    %iota3A_55 = tpu.iota {dimensions = array<i32: 1>} : vector<128x2048xi32>
    %gt3A = arith.constant 0.699999988 : f32
    %gt3A_56 = vector.broadcast %gt3A : f32 to vector<128x2048xf32>
    %gt3A_57 = arith.cmpf ogt, %div3A, %gt3A_56 : vector<128x2048xf32>
    %lt3A = arith.cmpi slt, %add3A_54, %iota3A_55 : vector<128x2048xi32>
    %and3A = arith.andi %gt3A_57, %lt3A : vector<128x2048xi1>
    %convert_element_type3A = arith.extui %and3A : vector<128x2048xi1> to vector<128x2048xi32>
    %convert_element_type3A_58 = arith.sitofp %convert_element_type3A : vector<128x2048xi32> to vector<128x2048xf32>
    %swap3A = arith.constant 0 : index
    %swap3A_59 = arith.constant 0 : index
    %swap3A_60 = vector.load %arg9[%swap3A, %swap3A_59] : memref<128x2048xf32, #tpu.memory_space<vmem>>, vector<128x2048xf32>
    tpu.vector_store %arg9[%swap3A, %swap3A_59], %convert_element_type3A_58 {strides = array<i32>} : memref<128x2048xf32, #tpu.memory_space<vmem>>, vector<128x2048xf32>,
    return
  }
  func.func @transform_0(%arg0: i32) -> (i32, i32) {
    %c0_i32 = arith.constant 0 : i32
    %c0_i32_0 = arith.constant 0 : i32
    return %arg0, %c0_i32 : i32, i32
  }
  func.func @transform_1(%arg0: i32) -> (i32, i32) {
    %c0_i32 = arith.constant 0 : i32
    %c0_i32_0 = arith.constant 0 : i32
    return %arg0, %c0_i32 : i32, i32
  }
  func.func @transform_2(%arg0: i32) -> (i32, i32) {
    %c0_i32 = arith.constant 0 : i32
    %c0_i32_0 = arith.constant 0 : i32
    return %arg0, %c0_i32 : i32, i32
  }
  func.func @transform_3(%arg0: i32) -> (i32, i32) {
    %c0_i32 = arith.constant 0 : i32
    %c0_i32_0 = arith.constant 0 : i32
    return %arg0, %c0_i32 : i32, i32
  }
  func.func @transform_4(%arg0: i32) -> (i32, i32) {
    %c0_i32 = arith.constant 0 : i32
    %c0_i32_0 = arith.constant 0 : i32
    %c0_i32_1 = arith.constant 0 : i32
    return %c0_i32, %c0_i32_0 : i32, i32
  }
  func.func @transform_5(%arg0: i32) -> (i32, i32) {
    %c0_i32 = arith.constant 0 : i32
    %c0_i32_0 = arith.constant 0 : i32
    %c0_i32_1 = arith.constant 0 : i32
    return %c0_i32, %c0_i32_0 : i32, i32
  }
  func.func @transform_6(%arg0: i32) -> (i32, i32) {
    %c0_i32 = arith.constant 0 : i32
    %c0_i32_0 = arith.constant 0 : i32
    %c0_i32_1 = arith.constant 0 : i32
    return %c0_i32, %c0_i32_0 : i32, i32
  }
  func.func @transform_7(%arg0: i32) -> (i32, i32) {
    %c0_i32 = arith.constant 0 : i32
    %c0_i32_0 = arith.constant 0 : i32
    %c0_i32_1 = arith.constant 0 : i32
    return %c0_i32, %c0_i32_0 : i32, i32
  }
  func.func @transform_8(%arg0: i32) -> (i32, i32) {
    %c0_i32 = arith.constant 0 : i32
    %c0_i32_0 = arith.constant 0 : i32
    return %arg0, %c0_i32 : i32, i32
  }
}

module attributes {stable_mosaic.version = 14 : i64} {
  func.func @_nms_kernel(%arg0: memref<2048x2048xf32, #tpu.memory_space<vmem>>, %arg1: memref<1x2048xf32, #tpu.memory_space<vmem>>) attributes {dimension_semantics = [], scalar_prefetch = 0 : i64, scratch_operands = 0 : i64, tpu.core_type = #tpu.core_type<tc>} {
    %broadcast_in_dim3A = arith.constant 1.000000e+00 : f32
    %broadcast_in_dim3A_0 = vector.broadcast %broadcast_in_dim3A : f32 to vector<1x2048xf32>
    %swap3A = arith.constant 0 : index
    %swap3A_1 = arith.constant 0 : index
    %swap3A_2 = vector.load %arg1[%swap3A, %swap3A_1] : memref<1x2048xf32, #tpu.memory_space<vmem>>, vector<1x2048xf32>
    tpu.vector_store %arg1[%swap3A, %swap3A_1], %broadcast_in_dim3A_0 {strides = array<i32>} : memref<1x2048xf32, #tpu.memory_space<vmem>>, vector<1x2048xf32>,
    %while3A = arith.constant 0 : i32
    %while3A_3 = arith.constant true
    %while3A_4:2 = scf.while (%while3A_5 = %while3A, %while3A_6 = %while3A_3) : (i32, i1) -> (i32, i1) {
      %lt3A = arith.constant 2049 : i32
      %lt3A_7 = arith.cmpi slt, %while3A_5, %lt3A : i32
      %and3A = arith.andi %while3A_6, %lt3A_7 : i1
      scf.condition(%and3A) %while3A_5, %while3A_6 : i32, i1
    } do {
    ^bb0(%while3A_5: i32, %while3A_6: i1):
      %get3A = arith.constant 0 : index
      %get3A_7 = arith.constant 0 : index
      %get3A_8 = vector.load %arg1[%get3A, %get3A_7] : memref<1x2048xf32, #tpu.memory_space<vmem>>, vector<1x2048xf32>
      %get3A_9 = arith.constant 0 : index
      %get3A_10 = arith.constant 0 : index
      %get3A_11 = vector.load %arg0[%get3A_9, %get3A_10] : memref<2048x2048xf32, #tpu.memory_space<vmem>>, vector<2048x2048xf32>
      %dot_general3A = arith.constant dense<0.000000e+00> : vector<1x2048xf32>
      %dot_general3A_12 = tpu.matmul %get3A_8, %get3A_11, %dot_general3A {dimension_numbers = #tpu.dot_dimension_numbers<[1], [0], [0], [1], [0, 0, 1, 1], [], []>, transpose_lhs_hint = false} : vector<1x2048xf32>, vector<2048x2048xf32>, vector<1x2048xf32> -> vector<1x2048xf32>
      %gt3A = arith.constant 5.000000e-01 : f32
      %gt3A_13 = vector.broadcast %gt3A : f32 to vector<1x2048xf32>
      %gt3A_14 = arith.cmpf ogt, %dot_general3A_12, %gt3A_13 : vector<1x2048xf32>
      %jit3A = arith.constant 0.000000e+00 : f32
      %jit3A_15 = arith.constant 1.000000e+00 : f32
      %broadcast_in_dim3A_16 = vector.broadcast %jit3A : f32 to vector<1x2048xf32>
      %broadcast_in_dim3A_17 = vector.broadcast %jit3A_15 : f32 to vector<1x2048xf32>
      %select_n3A = arith.select %gt3A_14, %broadcast_in_dim3A_16, %broadcast_in_dim3A_17 : vector<1x2048xi1>, vector<1x2048xf32>
      %sub3A = arith.subf %select_n3A, %get3A_8 : vector<1x2048xf32>
      %abs3A = math.absf %sub3A : vector<1x2048xf32>
      %reduce_sum3A = vector.shape_cast %abs3A : vector<1x2048xf32> to vector<1x1x2048xf32>
      %reduce_sum3A_18 = arith.constant dense<0.000000e+00> : vector<1xf32>
      %reduce_sum3A_19 = vector.multi_reduction <add>, %reduce_sum3A, %reduce_sum3A_18 [1, 2] : vector<1x1x2048xf32> to vector<1xf32>
      %reduce_sum3A_20 = vector.shape_cast %reduce_sum3A_19 : vector<1xf32> to vector<1x1x1xf32>
      %reduce_sum3A_21 = vector.extract %reduce_sum3A_20[0, 0, 0] : f32 from vector<1x1x1xf32>
      %gt3A_22 = arith.constant 0.000000e+00 : f32
      %gt3A_23 = arith.cmpf ogt, %reduce_sum3A_21, %gt3A_22 : f32
      %swap3A_24 = arith.constant 0 : index
      %swap3A_25 = arith.constant 0 : index
      %swap3A_26 = vector.load %arg1[%swap3A_24, %swap3A_25] : memref<1x2048xf32, #tpu.memory_space<vmem>>, vector<1x2048xf32>
      tpu.vector_store %arg1[%swap3A_24, %swap3A_25], %select_n3A {strides = array<i32>} : memref<1x2048xf32, #tpu.memory_space<vmem>>, vector<1x2048xf32>,
      %add3A = arith.constant 1 : i32
      %add3A_27 = arith.addi %while3A_5, %add3A : i32
      scf.yield %add3A_27, %gt3A_23 : i32, i1
    }
    return
  }
}

module attributes {stable_mosaic.version = 14 : i64} {
  func.func @_sort_kernel(%arg0: i32, %arg1: memref<128x1xf32, #tpu.memory_space<vmem>>, %arg2: memref<128x1xf32, #tpu.memory_space<vmem>>, %arg3: memref<1x2048xf32, #tpu.memory_space<vmem>>, %arg4: memref<1x2048xf32, #tpu.memory_space<vmem>>, %arg5: memref<128x8xf32, #tpu.memory_space<vmem>>, %arg6: memref<1024x8xf32, #tpu.memory_space<vmem>>) attributes {dimension_semantics = [#tpu.dimension_semantics<arbitrary>], iteration_bounds = array<i64: 16>, scalar_prefetch = 0 : i64, scratch_operands = 0 : i64, tpu.core_type = #tpu.core_type<tc>, window_params = [{transform_indices = @transform_0, window_bounds = array<i64: 128, 1>}, {transform_indices = @transform_1, window_bounds = array<i64: 128, 1>}, {pipeline_mode = #tpu.pipeline_mode<synchronous>, transform_indices = @transform_2, window_bounds = array<i64: 1, 2048>}, {pipeline_mode = #tpu.pipeline_mode<synchronous>, transform_indices = @transform_3, window_bounds = array<i64: 1, 2048>}, {transform_indices = @transform_4, window_bounds = array<i64: 128, 8>}, {pipeline_mode = #tpu.pipeline_mode<synchronous>, transform_indices = @transform_5, window_bounds = array<i64: 1024, 8>}]} {
    %get3A = arith.constant 0 : index
    %get3A_0 = arith.constant 0 : index
    %get3A_1 = vector.load %arg1[%get3A, %get3A_0] : memref<128x1xf32, #tpu.memory_space<vmem>>, vector<128x1xf32>
    %gt3A = arith.constant 5.000000e-01 : f32
    %gt3A_2 = vector.broadcast %gt3A : f32 to vector<128x1xf32>
    %gt3A_3 = arith.cmpf ogt, %get3A_1, %gt3A_2 : vector<128x1xf32>
    %get3A_4 = arith.constant 0 : index
    %get3A_5 = arith.constant 0 : index
    %get3A_6 = vector.load %arg2[%get3A_4, %get3A_5] : memref<128x1xf32, #tpu.memory_space<vmem>>, vector<128x1xf32>
    %jit3A = arith.constant -1.000000e+09 : f32
    %broadcast_in_dim3A = vector.broadcast %jit3A : f32 to vector<128x1xf32>
    %select_n3A = arith.select %gt3A_3, %get3A_6, %broadcast_in_dim3A : vector<128x1xi1>, vector<128x1xf32>
    %get3A_7 = arith.constant 0 : index
    %get3A_8 = arith.constant 0 : index
    %get3A_9 = vector.load %arg3[%get3A_7, %get3A_8] : memref<1x2048xf32, #tpu.memory_space<vmem>>, vector<1x2048xf32>
    %gt3A_10 = arith.constant 5.000000e-01 : f32
    %gt3A_11 = vector.broadcast %gt3A_10 : f32 to vector<1x2048xf32>
    %gt3A_12 = arith.cmpf ogt, %get3A_9, %gt3A_11 : vector<1x2048xf32>
    %get3A_13 = arith.constant 0 : index
    %get3A_14 = arith.constant 0 : index
    %get3A_15 = vector.load %arg4[%get3A_13, %get3A_14] : memref<1x2048xf32, #tpu.memory_space<vmem>>, vector<1x2048xf32>
    %jit3A_16 = arith.constant -1.000000e+09 : f32
    %broadcast_in_dim3A_17 = vector.broadcast %jit3A_16 : f32 to vector<1x2048xf32>
    %select_n3A_18 = arith.select %gt3A_12, %get3A_15, %broadcast_in_dim3A_17 : vector<1x2048xi1>, vector<1x2048xf32>
    %iota3A = tpu.iota {dimensions = array<i32: 0>} : vector<128x2048xi32>
    %mul3A = arith.constant 128 : i32
    %mul3A_19 = arith.muli %arg0, %mul3A : i32
    %add3A = vector.broadcast %mul3A_19 : i32 to vector<128x2048xi32>
    %add3A_20 = arith.addi %iota3A, %add3A : vector<128x2048xi32>
    %iota3A_21 = tpu.iota {dimensions = array<i32: 1>} : vector<128x2048xi32>
    %gt3A_22 = vector.broadcast %select_n3A_18 : vector<1x2048xf32> to vector<128x2048xf32>
    %gt3A_23 = vector.broadcast %select_n3A : vector<128x1xf32> to vector<128x2048xf32>
    %gt3A_24 = arith.cmpf ogt, %gt3A_22, %gt3A_23 : vector<128x2048xf32>
    %eq3A = vector.broadcast %select_n3A_18 : vector<1x2048xf32> to vector<128x2048xf32>
    %eq3A_25 = vector.broadcast %select_n3A : vector<128x1xf32> to vector<128x2048xf32>
    %eq3A_26 = arith.cmpf oeq, %eq3A, %eq3A_25 : vector<128x2048xf32>
    %lt3A = arith.cmpi slt, %iota3A_21, %add3A_20 : vector<128x2048xi32>
    %and3A = arith.andi %eq3A_26, %lt3A : vector<128x2048xi1>
    %or3A = arith.ori %gt3A_24, %and3A : vector<128x2048xi1>
    %convert_element_type3A = arith.extui %or3A : vector<128x2048xi1> to vector<128x2048xi32>
    %reduce_sum3A = arith.constant dense<0> : vector<128xi32>
    %reduce_sum3A_27 = vector.multi_reduction <add>, %convert_element_type3A, %reduce_sum3A [1] : vector<128x2048xi32> to vector<128xi32>
    %broadcast_in_dim3A_28 = vector.shape_cast %reduce_sum3A_27 : vector<128xi32> to vector<128x1xi32>
    %iota3A_29 = tpu.iota {dimensions = array<i32: 1>} : vector<128x1024xi32>
    %eq3A_30 = vector.broadcast %broadcast_in_dim3A_28 : vector<128x1xi32> to vector<128x1024xi32>
    %eq3A_31 = arith.cmpi eq, %eq3A_30, %iota3A_29 : vector<128x1024xi32>
    %convert_element_type3A_32 = arith.extui %eq3A_31 : vector<128x1024xi1> to vector<128x1024xi32>
    %convert_element_type3A_33 = arith.sitofp %convert_element_type3A_32 : vector<128x1024xi32> to vector<128x1024xf32>
    %iota3A_34 = tpu.iota {dimensions = array<i32: 1>} : vector<1x8xi32>
    %eq3A_35 = arith.constant 4 : i32
    %eq3A_36 = vector.broadcast %eq3A_35 : i32 to vector<1x8xi32>
    %eq3A_37 = arith.cmpi eq, %iota3A_34, %eq3A_36 : vector<1x8xi32>
    %convert_element_type3A_38 = arith.extui %eq3A_37 : vector<1x8xi1> to vector<1x8xi32>
    %convert_element_type3A_39 = arith.sitofp %convert_element_type3A_38 : vector<1x8xi32> to vector<1x8xf32>
    %get3A_40 = arith.constant 0 : index
    %get3A_41 = arith.constant 0 : index
    %get3A_42 = vector.load %arg5[%get3A_40, %get3A_41] : memref<128x8xf32, #tpu.memory_space<vmem>>, vector<128x8xf32>
    %mul3A_43 = vector.broadcast %select_n3A : vector<128x1xf32> to vector<128x8xf32>
    %mul3A_44 = vector.broadcast %convert_element_type3A_39 : vector<1x8xf32> to vector<128x8xf32>
    %mul3A_45 = arith.mulf %mul3A_43, %mul3A_44 : vector<128x8xf32>
    %add3A_46 = arith.addf %get3A_42, %mul3A_45 : vector<128x8xf32>
    %dot_general3A = arith.constant dense<0.000000e+00> : vector<1024x8xf32>
    %dot_general3A_47 = tpu.matmul %convert_element_type3A_33, %add3A_46, %dot_general3A {dimension_numbers = #tpu.dot_dimension_numbers<[0], [0], [1], [1], [0, 1, 1, 1], [], []>, precision = #tpu.contract_precision<fp32>, transpose_lhs_hint = false} : vector<128x1024xf32>, vector<128x8xf32>, vector<1024x8xf32> -> vector<1024x8xf32>
    %eq3A_48 = arith.constant 0 : i32
    %eq3A_49 = arith.cmpi eq, %arg0, %eq3A_48 : i32
    %convert_element_type3A_50 = arith.extui %eq3A_49 : i1 to i32
    %cond3A = arith.constant 0 : i32
    %cond3A_51 = arith.cmpi ne, %convert_element_type3A_50, %cond3A : i32
    scf.if %cond3A_51 {
      %broadcast_in_dim3A_58 = arith.constant 0.000000e+00 : f32
      %broadcast_in_dim3A_59 = vector.broadcast %broadcast_in_dim3A_58 : f32 to vector<1024x8xf32>
      %swap3A_60 = arith.constant 0 : index
      %swap3A_61 = arith.constant 0 : index
      %swap3A_62 = vector.load %arg6[%swap3A_60, %swap3A_61] : memref<1024x8xf32, #tpu.memory_space<vmem>>, vector<1024x8xf32>
      tpu.vector_store %arg6[%swap3A_60, %swap3A_61], %broadcast_in_dim3A_59 {strides = array<i32>} : memref<1024x8xf32, #tpu.memory_space<vmem>>, vector<1024x8xf32>,
    } else {
    }
    %get3A_52 = arith.constant 0 : index
    %get3A_53 = arith.constant 0 : index
    %get3A_54 = vector.load %arg6[%get3A_52, %get3A_53] : memref<1024x8xf32, #tpu.memory_space<vmem>>, vector<1024x8xf32>
    %add3A_55 = arith.addf %get3A_54, %dot_general3A_47 : vector<1024x8xf32>
    %swap3A = arith.constant 0 : index
    %swap3A_56 = arith.constant 0 : index
    %swap3A_57 = vector.load %arg6[%swap3A, %swap3A_56] : memref<1024x8xf32, #tpu.memory_space<vmem>>, vector<1024x8xf32>
    tpu.vector_store %arg6[%swap3A, %swap3A_56], %add3A_55 {strides = array<i32>} : memref<1024x8xf32, #tpu.memory_space<vmem>>, vector<1024x8xf32>,
    return
  }
  func.func @transform_0(%arg0: i32) -> (i32, i32) {
    %c0_i32 = arith.constant 0 : i32
    %c0_i32_0 = arith.constant 0 : i32
    return %arg0, %c0_i32 : i32, i32
  }
  func.func @transform_1(%arg0: i32) -> (i32, i32) {
    %c0_i32 = arith.constant 0 : i32
    %c0_i32_0 = arith.constant 0 : i32
    return %arg0, %c0_i32 : i32, i32
  }
  func.func @transform_2(%arg0: i32) -> (i32, i32) {
    %c0_i32 = arith.constant 0 : i32
    %c0_i32_0 = arith.constant 0 : i32
    %c0_i32_1 = arith.constant 0 : i32
    return %c0_i32, %c0_i32_0 : i32, i32
  }
  func.func @transform_3(%arg0: i32) -> (i32, i32) {
    %c0_i32 = arith.constant 0 : i32
    %c0_i32_0 = arith.constant 0 : i32
    %c0_i32_1 = arith.constant 0 : i32
    return %c0_i32, %c0_i32_0 : i32, i32
  }
  func.func @transform_4(%arg0: i32) -> (i32, i32) {
    %c0_i32 = arith.constant 0 : i32
    %c0_i32_0 = arith.constant 0 : i32
    return %arg0, %c0_i32 : i32, i32
  }
  func.func @transform_5(%arg0: i32) -> (i32, i32) {
    %c0_i32 = arith.constant 0 : i32
    %c0_i32_0 = arith.constant 0 : i32
    %c0_i32_1 = arith.constant 0 : i32
    return %c0_i32, %c0_i32_0 : i32, i32
  }
}

</mosaic_0001>

<sc_bundles>
// kernel: gather_offload_async_start
scs
__scs_entry_jumppad:
0x0: {  	(pc) =	sbr.rel $0x88, $3  }
0x1: {  	(tag) =	ssettag $0x0;
	lr =	simm.s32 $0x1  }
0x2: {  	[smem:$0x3F9F] =	sst lr;
	_ =	strace $0xD0000000  }
0x3: {  	_ = 	snop  }
0x4: {  	_ = 	snop  }
0x5: {  	_ = 	snop  }
0x6: {  	_ = 	snop  }
0x7: {  	_ = 	snop  }
__scs_overlays_trampoline_lowered:
0x8: {  	[smem:$0x3FAE] =	sst s0  }
0x9: {  	[smem:$0x3FAF] =	sst s1  }
0xa: {  	[smem:$0x3FB0] =	sst s2  }
0xb: {  	[smem:$0x3FB1] =	sst s3  }
0xc: {  	[smem:$0x3FB2] =	sst s4  }
0xd: {  	[smem:$0x3FB3] =	sst s5  }
0xe: {  	[smem:$0x3FB4] =	sst s6  }
0xf: {  	[smem:$0x3FB5] =	sst s7  }
0x10: {  	[smem:$0x3FB6] =	sst s8  }
0x11: {  	[smem:$0x3FB7] =	sst s9;
	s0 =	simm.s32 @!p0 $0x0  }
0x12: {  	s1 =	sld [smem:$0x3F9D];
	s0 =	simm.s32 @p0 $0x1  }
0x13: {  	[smem:$0x3FB8] =	sst s0;
	s0 =	simm.s32 @!p1 $0x0  }
0x14: {  	s2 =	sld [smem:$0x3F9C];
	s0 =	simm.s32 @p1 $0x1  }
0x15: {  	[smem:$0x3FB9] =	sst s0;
	s0 =	simm.s32 @!p2 $0x0  }
0x16: {  	s3 =	sld [smem:$0x3FDB];
	s0 =	simm.s32 @p2 $0x1  }
0x17: {  	s4 =	simm.s32 $0x1BF5;
	[smem:$0x3FBB] =	sst s0  }
0x18: {  	s0 =	sld [smem:$0x3F9E];
	_ =	swait.ge [sflag:s4], $0x0  }
0x19: {  	s7 =	sld [smem:$0x3F9F]  }
0x1a: {  	s8 =	sadd.s32 $0xFFFFE003, lr  }
0x1b: {  	s9 =	sadd.s32 $0xFFFFFEF7, lr;
	s5 =	simm.s32 $0xFFFFFFFF;
	p2 =	slt.u32 s8, $0xFFFFF086  }
0x1c: {  	p1 =	slt.u32 s9, $0xF7A;
	s5 =	simm.s32 @!p2 $0x0  }
0x1d: {  	s5 =	simm.s32 @p1 $0x1;
	p0 =	seq.s32 s7, s2  }
0x1e: {  	s7 =	smul.u32 @!p0 $0xF7A, s2;
	p2 =	seq.s32 @!p0 s5, $0x0  }
0x1f: {  	s9 =	smul.u32 $0xF7A, s1;
	s8 =	simm.s32 @!p0 $0x1BF5;
	p2 =	por !p2, p0  }
0x20: {  	[sflag:s8] =	ssyncset.s32 @!p0 $0xFFFFF086;
	s6 =	sadd.s32 @!p0 s3, s7;
	s7 =	simm.s32 @!p0 $0x108  }
0x21: {  	s3 =	sadd.s32 s3, s9;
	s6 =	sadd.s32 @!p0 $0x88, s6;
	s7 =	simm.s32 @p2 $0x1082  }
0x22: {  	[simem:s7], [sflag:s8] =	dma.local @!p0 [hbm:s6], $0xF7A  }
0x23: {  	s9 =	sor.u32 $0xD0000000, s2;
	s6 =	simm.s32 $0x108;
	_ =	swait.ge @!p0 [sflag:s8], $0x0  }
0x24: {  	s3 =	sadd.s32 $0x88, s3;
	s6 =	simm.s32 @!p1 $0x1082;
	[sflag:s4] =	ssyncset.s32 $0xFFFFF086  }
0x25: {  	[simem:s6], [sflag:s4] =	dma.local [hbm:s3], $0xF7A  }
0x26: {  	[smem:$0x3F9F] =	sst s1;
	(tag) =	ssettag s2;
	_ =	strace s9  }
0x27: {  	s1 =	sld [smem:$0x3FAF]  }
0x28: {  	s2 =	sld [smem:$0x3FB0]  }
0x29: {  	s4 =	sld [smem:$0x3FB2]  }
0x2a: {  	p0 =	seq.s32 s5, $0x0;
	s5 =	sld [smem:$0x3FB3]  }
0x2b: {  	s6 =	sld [smem:$0x3FB4]  }
0x2c: {  	s7 =	sld [smem:$0x3FB5]  }
0x2d: {  	s3 =	simm.s32 $0x108;
	s8 =	sld [smem:$0x3FB6]  }
0x2e: {  	s3 =	simm.s32 @!p0 $0x1082;
	s9 =	sld [smem:$0x3FB7]  }
0x2f: {  	lr =	sadd.s32 s0, s3;
	s0 =	sld [smem:$0x3FAE]  }
0x30: {  	s3 =	sld [smem:$0x3FB1]  }
0x31: {  	[smem:$0x3FBA] =	sst s10  }
0x32: {  	s10 =	sld [smem:$0x3FB8];
	_ =	sdelay $0x3  }
0x33: {  	p0 =	seq.s32 s10, $0x1;
	s10 =	sld [smem:$0x3FBA];
	_ =	sdelay $0x3  }
0x34: {  	[smem:$0x3FBA] =	sst s10  }
0x35: {  	s10 =	sld [smem:$0x3FB9];
	_ =	sdelay $0x3  }
0x36: {  	p1 =	seq.s32 s10, $0x1;
	s10 =	sld [smem:$0x3FBA];
	_ =	sdelay $0x3  }
0x37: {  	[smem:$0x3FBA] =	sst s10  }
0x38: {  	s10 =	sld [smem:$0x3FBB]  }
0x39: {  	_ = 	snop;
	(pc) =	sbr.ind lr, $3  }
0x3a: {  	_ = 	snop  }
0x3b: {  	_ = 	snop  }
0x3c: {  	p2 =	seq.s32 s10, $0x1;
	s10 =	sld [smem:$0x3FBA]  }
0x3d: {  	_ =	shalt  }
0x3e: {  	_ =	shalt  }
0x3f: {  	_ =	shalt  }
0x40: {  	_ =	shalt  }
0x41: {  	_ =	shalt  }
0x42: {  	_ =	shalt  }
0x43: {  	_ =	shalt  }
0x44: {  	_ =	shalt  }
0x45: {  	_ =	shalt  }
0x46: {  	_ =	shalt  }
0x47: {  	_ =	shalt  }
0x48: {  	_ =	shalt  }
0x49: {  	_ =	shalt  }
0x4a: {  	_ =	shalt  }
0x4b: {  	_ =	shalt  }
0x4c: {  	_ =	shalt  }
0x4d: {  	_ =	shalt  }
0x4e: {  	_ =	shalt  }
0x4f: {  	_ =	shalt  }
0x50: {  	_ =	shalt  }
0x51: {  	_ =	shalt  }
0x52: {  	_ =	shalt  }
0x53: {  	_ =	shalt  }
0x54: {  	_ =	shalt  }
0x55: {  	_ =	shalt  }
0x56: {  	_ =	shalt  }
0x57: {  	_ =	shalt  }
0x58: {  	_ =	shalt  }
0x59: {  	_ =	shalt  }
0x5a: {  	_ =	shalt  }
0x5b: {  	_ =	shalt  }
0x5c: {  	_ =	shalt  }
0x5d: {  	_ =	shalt  }
0x5e: {  	_ =	shalt  }
0x5f: {  	_ =	shalt  }
0x60: {  	_ =	shalt  }
0x61: {  	_ =	shalt  }
0x62: {  	_ =	shalt  }
0x63: {  	_ =	shalt  }
0x64: {  	_ =	shalt  }
0x65: {  	_ =	shalt  }
0x66: {  	_ =	shalt  }
0x67: {  	_ =	shalt  }
0x68: {  	_ =	shalt  }
0x69: {  	_ =	shalt  }
0x6a: {  	_ =	shalt  }
0x6b: {  	_ =	shalt  }
0x6c: {  	_ =	shalt  }
0x6d: {  	_ =	shalt  }
0x6e: {  	_ =	shalt  }
0x6f: {  	_ =	shalt  }
0x70: {  	_ =	shalt  }
0x71: {  	_ =	shalt  }
0x72: {  	_ =	shalt  }
0x73: {  	_ =	shalt  }
0x74: {  	_ =	shalt  }
0x75: {  	_ =	shalt  }
0x76: {  	_ =	shalt  }
0x77: {  	_ =	shalt  }
0x78: {  	_ =	shalt  }
0x79: {  	_ =	shalt  }
0x7a: {  	_ =	shalt  }
0x7b: {  	_ =	shalt  }
0x7c: {  	_ =	shalt  }
0x7d: {  	_ =	shalt  }
0x7e: {  	_ =	shalt  }
0x7f: {  	_ =	shalt  }
0x80: {  	_ =	shalt  }
0x81: {  	_ =	shalt  }
0x82: {  	_ =	shalt  }
0x83: {  	_ =	shalt  }
0x84: {  	_ =	shalt  }
0x85: {  	_ =	shalt  }
0x86: {  	_ =	shalt  }
0x87: {  	_ =	shalt  }
.Lfunc_end0:
.L_simem_size_0:
called_computation_lowered:
.L_overlay_start_0:
0x88: {  	s0 =	sld [smem:$0x3FD9]  }
0x89: {  	s1 =	sld [smem:$0x3FFE];
	_ =	sdelay $0x3  }
0x8a: {  	s0 =	sadd.s32 s1, s0  }
0x8b: {  	[smem:$0x3FC6] =	sst s0  }
0x8c: {  	_ = 	snop  }
0x8d: {  	s0 =	sld [smem:$0x3FD0];
	_ =	sdelay $0x2  }
0x8e: {  	s13 =	simm.s32 $0xA;
	s2 =	simm.s32 $0x10  }
0x8f: {  	[smem:s2], [sflag:s13] =	dma.local [hbm:s0], $0x1  }
0x90: {  	_ =	swait.eq [sflag:s13], $0x1  }
0x91: {  	[sflag:s13] =	ssyncset.done $0x0  }
0x92: {  	[sflag:s13] =	ssyncadd.s32 $0xFFFFFFFF  }
0x93: {  	s14 =	sld [smem:$0x10];
	(tm) =	ssettm $0x1  }
0x94: {  	s15 =	sld [smem:$0x3FFB];
	_ =	sdelay $0x3  }
0x95: {  	_ =	strace s15  }
0x96: {  	s1 =	sld [smem:$0x3FFC];
	_ =	sdelay $0x3  }
0x97: {  	_ =	strace s1  }
0x98: {  	s1 =	sld [smem:$0x3FFD];
	_ =	sdelay $0x3  }
0x99: {  	_ =	strace s1  }
0x9a: {  	_ =	strace $0x8FFFFFFF  }
0x9b: {  	s16 =	sld [smem:$0x3FDB];
	_ =	sdelay $0x1  }
0x9c: {  	s17 =	simm.s32 $_scs_section_size  }
0x9d: {  	s3 =	simm.s32 $_size__tile_overlayer_lowered;
	s4 =	simm.s32 $_tile_overlayer_lowered  }
0x9e: {  	s20 =	simm.s32 $0x1BFF;
	s19 =	sshll.u32 s4, $0x1;
	s1 =	sadd.s32 s17, s16  }
0x9f: {  	s5 =	simm.s32 $0x0;
	s18 =	sshll.u32 s3, $0x1;
	s3 =	sadd.s32 s19, s1  }
0xa0: {  	[timem:s5], [sflag:s20] =	dma.local [hbm:s3], s18  }
0xa1: {  	_ =	swait.ge [sflag:s20], s18  }
0xa2: {  	s2 =	ssub.s32 $0x0, s18;
	[sflag:s20] =	ssyncset.done $0x0  }
0xa3: {  	[sflag:s20] =	ssyncadd.s32 s2;
	_ =	sdelay $0x1  }
0xa4: {  	s21 =	simm.s32 $0x1B8B  }
0xa5: {  	_ =	swait.ge [sflag:s21], $0x1  }
0xa6: {  	[sflag:s21] =	ssyncset.done $0x0  }
0xa7: {  	s23 =	simm.s32 $0x1B8E;
	s22 =	sld [smem:$0x3FFE];
	[sflag:s21] =	ssyncadd.s32 $0xFFFFFFFF  }
0xa8: {  	s24 =	simm.s32 $execute0_lowered;
	[smem:$0x3FD2] =	sst s23  }
0xa9: {  	s3 =	sshll.u32 s24, $0x1;
	_ =	strace $0x80000046;
	[dreg:$0x1] =	wrdreg $0xFFFFFFFF  }
0xaa: {  	s25 =	simm.s32 $_size_execute0_lowered;
	s1 =	sadd.s32 s1, s3;
	[dreg:$0x0] =	wrdreg $0x0  }
0xab: {  	s3 =	sshll.u32 s25, $0x1;
	[dreg:$0x2] =	wrdreg s1  }
0xac: {  	[dreg:$0x3] =	wrdreg s3  }
0xad: {  	[dreg:$0x4] =	wrdreg $0xC0  }
0xae: {  	_ =	task [dreg:s5], $0x5FFFF  }
0xaf: {  	[dreg:$0x1] =	wrdreg $0xFFFFFFFF  }
0xb0: {  	[dreg:$0x0] =	wrdreg $0x60  }
0xb1: {  	[dreg:$0x2] =	wrdreg s22  }
0xb2: {  	[dreg:$0x3] =	wrdreg s14  }
0xb3: {  	[dreg:$0x4] =	wrdreg $0x9  }
0xb4: {  	_ =	task.clear_ibuf [dreg:s5], $0x5FFFF;
	_ =	strace $0x90000046  }
0xb5: {  	s26 =	simm.s32 $0x9;
	_ =	strace $0x80000048  }
0xb6: {  	_ =	swait.ge [sflag:s26], $0x1  }
0xb7: {  	[sflag:s26] =	ssyncadd.s32 $0xFFFFFFFF  }
0xb8: {  	_ =	strace $0x90000048  }
0xb9: {  	_ =	sfence  }
0xba: {  	s28 =	sld [smem:$0x0];
	_ =	sdelay $0x1  }
0xbb: {  	s29 =	srdreg.scid  }
0xbc: {  	s30 =	sshll.u32 s29, $0xD;
	s31 =	sshrl.u32 s29, $0x2  }
0xbd: {  	s2 =	sand.u32 $0x4000, s30;
	s1 =	sand.u32 $0x1, s29;
	s0 =	sadd.s32 s31, s28  }
0xbe: {  	s1 =	sor.u32 s2, s1;
	s0 =	sshll.u32 s0, $0x11  }
0xbf: {  	s0 =	sor.u32 s0, s1  }
0xc0: {  	s0 =	sadd.s32 $0x8F2B, s0  }
0xc1: {  	[sflag:s0] =	ssyncadd.remote.s32 $0x1  }
0xc2: {  	_ =	sfence.sel $0xFFFF  }
0xc3: {  	[dreg:$0x0] =	wrdreg $0xFFFFFFFF;
	(pc) =	sbr.abs _section_cstart, $3  }
0xc4: {  	[dreg:$0x1] =	wrdreg $0xFFFFFFFF  }
0xc5: {  	_ =	task.clear_ibuf [dreg:s5], $0x2FFFF;
	_ =	strace $0x9FFFFFFF  }
0xc6: {  	(tm) =	ssettm $0x7FFFFFFF  }
0xc7: {  	_ =	shalt  }
tec
execute0_lowered:
.L_overlay_start_1:
0x0: {  	(tag) =	ssettag $0x1  }
0x1: {  	s0 =	stileid.u32  }
0x2: {  	s1 =	smin.u32 s0, $0x9  }
0x3: {  	s1 =	sadd.s32 s0, s1  }
0x4: {  	s2 =	simm.s32 $0xA0;
	p0 =	slt.u32 s0, $0x9;
	s1 =	smul.u32 $0x50, s1  }
0x5: {  	s2 =	simm.s32 @!p0 $0x50  }
0x6: {  	s2 =	sadd.s32 s2, s1  }
0x7: {  	s3 =	smin.u32 s2, $0x7D0  }
0x8: {  	s7 =	ssub.s32 s3, s1  }
0x9: {  	p0 =	sgt.s32 s7, $0x0  }
0xa: {  	s7 =	simm.s32 @!p0 $0x0  }
0xb: {  	s4 =	rddreg [dreg:$0x0];
	s31 =	smul.u32 $0xCCCD, s7  }
0xc: {  	s5 =	rddreg [dreg:$0x1]  }
0xd: {  	s6 =	simm.s32 $0x1;
	s10 =	simm.s32 $0x3;
	s8 =	sshrl.u32 s31, $0x16  }
0xe: {  	s13 =	simm.s32 $0x0;
	s12 =	simm.s32 $0x0;
	s9 =	smul.u32 $0x50, s8  }
.Ltmp0:
0xf: {  	s11 =	smov.u32 s1;
	s2 =	rddreg [dreg:$0x2];
	(pc) =	sbr.rel .LBB2_1-.Ltmp0, $4  }
0x10: {  	_ =	strace $0x80000047;
	p0 =	sne.s32 s7, s9;
	s9 =	simm.s32 $0x1  }
0x11: {  	[sflag:s6] =	ssyncpa.u1 $0x0;
	s7 =	simm.s32 $0x2;
	s9 =	simm.s32 @!p0 $0x0  }
0x12: {  	[sflag:s7] =	ssyncpa.u1 $0x0;
	p0 =	por $0x0, $0x0;
	s8 =	sadd.s32 s8, s9  }
0x13: {  	vm0 =	vmmov $0xff;
	vm1 =	vcmask $0x3F20;
	s9 =	sadd.s32 $0x4E200, s4;
	[sflag:s10] =	ssyncpa.u1 $0x0;
	s10 =	sadd.s32 $0x1, s8  }
.LBB2_6:
0x14: {  	[hbm:s17] =	stream.linear.scatter [tilespmem:s14], [sflag:$0x3], $0x400, $0x38;
	[tilespmem:$0x50A0] =	vst v63  }
.LBB2_7:
0x15: {  	s13 =	sadd.s32 $0x50, s11  }
0x16: {  	s15 =	smov.u32 s1;
	p2 =	slt.s32 s13, s3  }
0x17: {  	s15 =	smov.u32 @p2 s13;
	p2 =	sne.s32 s12, s10  }
.Ltmp1:
0x18: {  	p1 =	slt.u32 s12, $0x2;
	(pc) =	sbr.rel @!p2 .LBB2_8-.Ltmp1, $4  }
0x19: {  	s14 =	simm.s32 @!p1 $0x3  }
0x1a: {  	s16 =	sadd.s32 $0x1, s12;
	_ =	swait.ge @!p1 [sflag:s14], $0x2800  }
0x1b: {  	p0 =	por !p0, !p0;
	s13 =	smov.u32 s11;
	[sflag:s14] =	ssyncset.done @!p1 $0x0  }
0x1c: {  	s12 =	smov.u32 s16;
	s11 =	smov.u32 s15;
	[sflag:s14] =	ssyncadd.s32 @!p1 $0xFFFFD800  }
.LBB2_1:
0x1d: {  	p1 =	sge.u32 s12, s8  }
0x1e: {  	s14 =	sxor.u32 @!p1 $0xFFFFFFFF, s12  }
0x1f: {  	s14 =	sand.u32 @!p1 $0x1, s14  }
0x20: {  	s14 =	smul.u32 @!p1 $0x140, s14  }
0x21: {  	s31 =	sadd.s32 $0xFFFFFFFF, s12;
	s15 =	sshrl.u32 @!p1 s11, $0x3  }
0x22: {  	s16 =	sand.u32 @!p1 $0x7, s11;
	s15 =	sadd.s32 @!p1 s5, s15;
	s14 =	sshrl.u32 @!p1 s14, $0x2  }
0x23: {  	[tilespmem:s14], [sflag:$0x2] =	stream.linear.gather @!p1 [hbm4b:s15+s16], $0x50, $0x38;
	[tilespmem:$0x50A0] =	vst v63  }
0x24: {  	p1 =	sge.u32 s31, s8  }
.Ltmp2:
0x25: {  	_ = 	snop;
	(pc) =	sbr.rel @p1 .LBB2_7-.Ltmp2, $1  }
0x26: {  	_ =	sdelay $0x3  }
0x27: {  	s14 =	simm.s32 $0x1  }
0x28: {  	s14 =	simm.s32 @!p0 $0x0  }
0x29: {  	s15 =	smul.u32 $0x140, s14  }
0x2a: {  	_ =	swait.ge [sflag:s7], $0x50  }
0x2b: {  	[sflag:s7] =	ssyncset.done $0x0;
	s16 =	sshrl.u32 s15, $0x2  }
0x2c: {  	[sflag:s7] =	ssyncadd.s32 $0xFFFFFFB0;
	s15 =	sadd.s32 $0x0, s16  }
0x2d: {  	v0 =	vld.msk [tilespmem:s15+$0x0 ss:$0x1], $0xffff;
	_ =	sdelay $0x4  }
0x2e: {  	vm2 =	vgt.s32 v0, $0x0  }
0x2f: {  	v0 =	vnsel vm2, $0x0, v0  }
0x30: {  	v0 =	vmin.u32 v0, $0x4E1F  }
0x31: {  	v0 =	vshll.u32 v0, $0x4  }
0x32: {  	s14 =	smul.u32 $0xA000, s14;
	_ =	sdelay $0x1  }
0x33: {  	s14 =	sshrl.u32 s14, $0x2  }
0x34: {  	s14 =	sor.u32 $0xA0, s14  }
0x35: {  	[tilespmem:s14], [sflag:$0x1] =	stream.indirect_vreg.gather [hbm:s4], $0x80, v0, vm0, $0x38;
	[tilespmem:$0x50A0] =	vst v63  }
0x36: {  	s17 =	sadd.s32 $0x10, s16;
	s15 =	sadd.s32 $0x400, s14  }
0x37: {  	[tilespmem:s15], [sflag:$0x1] =	stream.indirect_vreg.gather [hbm:s4], $0x80, v0, vm1, $0x38;
	[tilespmem:$0x50A0] =	vst v63  }
0x38: {  	s18 =	simm.s32 $0x80;
	v0 =	vld.msk [tilespmem:s17+$0x0 ss:$0x1], $0xffff;
	s17 =	smov.u32 s14  }
.LBB2_3:
0x39: {  	p1 =	sne.s32 s18, $0x100;
	_ =	sdelay $0x4  }
0x3a: {  	vm2 =	vgt.s32 v0, $0x0  }
0x3b: {  	v0 =	vnsel vm2, $0x0, v0  }
0x3c: {  	v0 =	vmin.u32 v0, $0x4E1F  }
0x3d: {  	v0 =	vshll.u32 v0, $0x4;
	_ =	sdelay $0x3  }
.Ltmp3:
0x3e: {  	s19 =	sshra.s32 s18, $0x2;
	s17 =	sadd.s32 $0x800, s17;
	(pc) =	sbr.rel @p1 .LBB2_3-.Ltmp3, $4  }
0x3f: {  	[tilespmem:s17], [sflag:$0x1] =	stream.indirect_vreg.gather [hbm:s4], $0x80, v0, vm0, $0x38;
	[tilespmem:$0x50A0] =	vst v63  }
0x40: {  	s19 =	sadd.s32 s19, s16;
	s20 =	sadd.s32 $0x400, s17  }
0x41: {  	[tilespmem:s20], [sflag:$0x1] =	stream.indirect_vreg.gather [hbm:s4], $0x80, v0, vm1, $0x38;
	[tilespmem:$0x50A0] =	vst v63  }
0x42: {  	s18 =	sadd.s32 $0x40, s18;
	v0 =	vld.msk [tilespmem:s19+$0x0 ss:$0x1], $0xffff  }
0x43: {  	_ =	sdelay $0x3  }
0x44: {  	vm2 =	vgt.s32 v0, $0x0  }
0x45: {  	v0 =	vnsel vm2, $0x0, v0  }
0x46: {  	v0 =	vmin.u32 v0, $0x4E1F  }
0x47: {  	v0 =	vshll.u32 v0, $0x4;
	_ =	sdelay $0x3  }
0x48: {  	s16 =	sadd.s32 $0x800, s17  }
0x49: {  	[tilespmem:s16], [sflag:$0x1] =	stream.indirect_vreg.gather [hbm:s4], $0x80, v0, vm0, $0x38;
	[tilespmem:$0x50A0] =	vst v63  }
0x4a: {  	s16 =	sadd.s32 $0x400, s16  }
0x4b: {  	[tilespmem:s16], [sflag:$0x1] =	stream.indirect_vreg.gather [hbm:s4], $0x80, v0, vm1, $0x38;
	[tilespmem:$0x50A0] =	vst v63  }
0x4c: {  	s13 =	sshll.u32 s13, $0x4;
	_ =	swait.ge [sflag:s6], $0x2800  }
0x4d: {  	s13 =	sadd.s32 s13, s9;
	[sflag:s6] =	ssyncset.done $0x0  }
0x4e: {  	s17 =	sadd.s32 $0x0, s13;
	s16 =	simm.s32 $0x80;
	[sflag:s6] =	ssyncadd.s32 $0xFFFFD800  }
.LBB2_5:
0x4f: {  	[hbm:s17] =	stream.linear.scatter [tilespmem:s14], [sflag:$0x3], $0x400, $0x38;
	[tilespmem:$0x50A0] =	vst v63  }
0x50: {  	s17 =	smov.u32 s16;
	s14 =	smov.u32 s15;
	p1 =	sne.s32 s16, $0x480  }
.Ltmp4:
0x51: {  	s16 =	sadd.s32 $0x80, s16;
	(pc) =	sbr.rel @p1 .LBB2_5-.Ltmp4, $2  }
0x52: {  	_ =	sdelay $0x2  }
0x53: {  	s15 =	sadd.s32 $0x400, s15;
	s17 =	sadd.s32 s17, s13  }
.Ltmp5:
0x54: {  	_ = 	snop;
	(pc) =	sbr.rel .LBB2_6-.Ltmp5, $1  }
0x55: {  	_ =	sdelay $0x3  }
.LBB2_8:
0x56: {  	_ =	sfence.sel $0x180000  }
0x57: {  	s1 =	simm.s32 $0x2;
	[bflag:$0x0] =	sbarrier.arrive $0xFFFF  }
0x58: {  	s30 =	simm.s32 $0x3;
	[sflag:s1] =	ssyncpa.u1 $0x1  }
0x59: {  	s31 =	simm.s32 $0x1;
	[sflag:s30] =	ssyncpa.u1 $0x1  }
0x5a: {  	[sflag:s31] =	ssyncpa.u1 $0x1  }
0x5b: {  	p0 =	sne.s32 s0, $0x0;
	_ =	strace $0x90000047  }
0x5c: {  	s0 =	sadd.s32 @!p0 $0x100000, s2;
	[bflag:$0x2] =	sbarrier.arrive $0xFFFF  }
0x5d: {  	[sflag:s0] =	ssyncadd.tile.s32 @!p0 $0x1;
	_ =	shalt  }
.Lfunc_end2:
_tile_overlayer_lowered:
.L_overlay_start_2:
0x5e: {  	(tag) =	ssettag $0x2  }
0x5f: {  	s0 =	rddreg [dreg:$0x0];
	s2 =	stileid.u32  }
0x60: {  	s1 =	rddreg [dreg:$0x1];
	p0 =	sne.s32 s2, $0x0  }
0x61: {  	s3 =	rddreg [dreg:$0x2];
	[bflag:$0x3] =	sbarrier.arrive $0xFFFF;
	s2 =	simm.s32 @!p0 $0x1C01  }
0x62: {  	[timem:s3], [sflag:s2] =	dma.local @!p0 [hbm:s0], s1  }
0x63: {  	s0 =	simm.s32 @!p0 $0x1  }
0x64: {  	_ =	swait.ge @!p0 [sflag:s0], s1  }
0x65: {  	s1 =	ssub.s32 @!p0 $0x0, s1;
	[sflag:s0] =	ssyncset.done @!p0 $0x0  }
0x66: {  	[sflag:s0] =	ssyncadd.s32 @!p0 s1  }
0x67: {  	[bflag:$0x3] =	sbarrier.arrive $0xFFFF  }
0x68: {  	_ =	shalt  }

</sc_bundles>
